<compile_context>
chip_gen: v7x
topology: tpu7x:2x2x1
jax: 0.10.2.dev20260603
libtpu: 0.0.44.dev20260713+nightly
codegen_flags: <defaults>
</compile_context>

<pallas_src>
import jax
import jax.numpy as jnp
import numpy as np
from jax.experimental import pallas as pl
from jax.experimental.pallas import tpu as pltpu

EPS_ = 1e-07
S_ = 4096
T_ = 50
DS_ = 64
DA_ = 16
H_ = 256
DE_ = DA_ + 3
BS_ = 128
NROWS_ = BS_ * T_

C_OPT_ = float(np.log(np.float32(0.9) + np.float32(EPS_)))
C_SUB_ = float(np.log(np.float32(1.0) - np.float32(0.9) + np.float32(EPS_)))
LOG_S_ = float(np.log(np.float32(S_)))


def _phi_wake_kernel(state_ref, ext_ref, w1s_ref, w1e_ref, w2_ref, b2_ref,
                     out_ref, lw_sc, ss_sc):
    i = pl.program_id(0)
    nblocks = pl.num_programs(0)

    ext = ext_ref[...]

    x = jnp.dot(state_ref[...], w1s_ref[...], preferred_element_type=jnp.float32)
    x = x + jnp.dot(ext, w1e_ref[...], preferred_element_type=jnp.float32)
    h = jnp.tanh(x)
    s = jnp.dot(h, w2_ref[...], preferred_element_type=jnp.float32) + b2_ref[...]
    score = jax.nn.log_sigmoid(s)

    o = ext[:, DA_:DA_ + 1]
    r = ext[:, DA_ + 2:DA_ + 3]
    g = o * r + (1.0 - o) * jnp.log(1.0 - jnp.exp(r) + EPS_)

    cols = jnp.concatenate([score, g, o], axis=1)
    col = jax.lax.broadcasted_iota(jnp.int32, (BS_, NROWS_), 1) // T_
    row = jax.lax.broadcasted_iota(jnp.int32, (BS_, NROWS_), 0)
    mask = (col == row).astype(jnp.float32)
    sums = jnp.dot(mask, cols, preferred_element_type=jnp.float32)

    ssum = sums[:, 0:1]
    log_iw = sums[:, 1:2]
    n_opt = sums[:, 2:3]
    log_opt = C_OPT_ * n_opt + C_SUB_ * (T_ - n_opt)
    lw = log_iw - ssum - log_opt - LOG_S_

    lw_sc[pl.ds(i * BS_, BS_), :] = lw
    ss_sc[pl.ds(i * BS_, BS_), :] = ssum

    @pl.when(i == nblocks - 1)
    def _finalize():
        lwa = lw_sc[...]
        ssa = ss_sc[...]
        m = jnp.max(lwa)
        e = jnp.exp(lwa - m)
        num = jnp.sum(e * ssa, keepdims=True)
        den = jnp.sum(e, keepdims=True)
        out_ref[...] = -num / den


@jax.jit
def kernel(state_tensor, action_tensor, reward_tensor, optimality_tensor,
           W1, b1, W2, b2):
    state2d = state_tensor.reshape(S_ * T_, DS_)
    ones = jnp.ones((S_, T_, 1), dtype=jnp.float32)
    ext2d = jnp.concatenate(
        [action_tensor, optimality_tensor, ones, reward_tensor], axis=-1
    ).reshape(S_ * T_, DE_)
    w1s = W1[:DS_]
    w1e = jnp.concatenate(
        [W1[DS_:DS_ + DA_ + 1], b1.reshape(1, H_),
         jnp.zeros((1, H_), dtype=jnp.float32)], axis=0
    )
    b2r = b2.reshape(1, 1)

    nblocks = S_ // BS_
    out = pl.pallas_call(
        _phi_wake_kernel,
        grid=(nblocks,),
        in_specs=[
            pl.BlockSpec((NROWS_, DS_), lambda i: (i, 0)),
            pl.BlockSpec((NROWS_, DE_), lambda i: (i, 0)),
            pl.BlockSpec((DS_, H_), lambda i: (0, 0)),
            pl.BlockSpec((DE_, H_), lambda i: (0, 0)),
            pl.BlockSpec((H_, 1), lambda i: (0, 0)),
            pl.BlockSpec((1, 1), lambda i: (0, 0)),
        ],
        out_specs=pl.BlockSpec((1, 1), lambda i: (0, 0)),
        out_shape=jax.ShapeDtypeStruct((1, 1), jnp.float32),
        scratch_shapes=[
            pltpu.VMEM((S_, 1), jnp.float32),
            pltpu.VMEM((S_, 1), jnp.float32),
        ],
        compiler_params=pltpu.CompilerParams(
            dimension_semantics=("arbitrary",),
        ),
    )(state2d, ext2d, w1s, w1e, W2, b2r)
    return out[0, 0]

# --- scband reference (transcript-rebuilt; emitter-appended) ---
"""Pipeline reference for scband-phi-wake-30219389895172 (READ-ONLY COPY).

The authoritative reference and input builder live on the scoring server;
editing this copy changes nothing except your own understanding.
"""

import jax, jax.numpy as jnp
import numpy as np

EPS = 1e-07
S = 4096
T = 50
DS = 64
DA = 16
H = 256
PROBS = jnp.full((T,), 0.9, dtype=jnp.float32)


def setup_inputs(seed: int = 0) -> dict:
    key = jax.random.key(seed)
    ks = jax.random.split(key, 8)
    state = jax.random.normal(ks[0], (S, T, DS), dtype=jnp.float32)
    action = jax.random.normal(ks[1], (S, T, DA), dtype=jnp.float32)
    # reward_tensor holds per-step log-probabilities (must be negative so that
    # log(1 - exp(r) + eps) is finite): transform uniform fill into log-space.
    u = jax.random.uniform(ks[2], (S, T, 1), dtype=jnp.float32)
    reward = jnp.log(u * 0.98 + 0.01)
    optim = jax.random.randint(ks[3], (S, T, 1), 0, 2).astype(jnp.float32)
    # policy network parameters (MLP: concat(state, action, optimality) -> H -> 1 log-prob)
    W1 = jax.random.normal(ks[4], (DS + DA + 1, H), dtype=jnp.float32) * 0.05
    b1 = jnp.zeros((H,), dtype=jnp.float32)
    W2 = jax.random.normal(ks[5], (H, 1), dtype=jnp.float32) * 0.05
    b2 = jnp.zeros((1,), dtype=jnp.float32)
    return {"state_tensor": state, "action_tensor": action, "reward_tensor": reward,
            "optimality_tensor": optim, "W1": W1, "b1": b1, "W2": W2, "b2": b2}


def _policy(s, a, o, W1, b1, W2, b2):
    x = jnp.concatenate([s, a, o], axis=-1)
    h = jnp.tanh(x @ W1 + b1)
    return jax.nn.log_sigmoid(h @ W2 + b2)  # [N, 1] log q(a|s,o)


def reference(state_tensor, action_tensor, reward_tensor, optimality_tensor, W1, b1, W2, b2):
    # PHI_WAKE.forward with include_buffer=False, normalize=1.
    total_samples = jnp.asarray(1.0 * reward_tensor.shape[0], dtype=jnp.float32)
    # USE OPTIMALITY VARIABLES AS INDICATORS: LOG P(TAU, O)
    subopt_reward = jnp.log(1.0 - jnp.exp(reward_tensor) + EPS)
    sub_opt_mat = jnp.sum((1.0 - optimality_tensor) * subopt_reward, axis=1)  # [S,1]
    opt_mat = jnp.sum(optimality_tensor * reward_tensor, axis=1)              # [S,1]
    log_iw_mat = sub_opt_mat + opt_mat                                        # [S,1]
    # LOG P(O) via mv against log probabilities
    opt_sq = jnp.squeeze(optimality_tensor, axis=2)                           # [S,T]
    opt_prob = opt_sq @ jnp.log(PROBS + EPS)                                  # [S]
    subopt_prob = (1.0 - opt_sq) @ jnp.log(1.0 - PROBS + EPS)                 # [S]
    logOpt = opt_prob + subopt_prob
    # CURRENT POLICY SCORE FUNCTION LOG Q_PHI(TAU|O)
    flat_states = state_tensor.reshape(-1, DS)
    flat_actions = action_tensor.reshape(-1, DA)
    flat_opt = optimality_tensor.reshape(-1, 1)
    score = _policy(flat_states, flat_actions, flat_opt, W1, b1, W2, b2)
    score = jnp.squeeze(score.reshape(reward_tensor.shape), axis=2)           # [S,T]
    sum_score = jnp.sum(score, axis=1)                                        # [S]
    # IMPORTANCE WEIGHTS (score function detached inside the weights)
    log_w = (jnp.squeeze(log_iw_mat, axis=1)
             - jax.lax.stop_gradient(sum_score)
             - logOpt
             - jnp.log(total_samples))
    iw = jax.nn.softmax(log_w)  # self.normalize == 1 -> self-normalized weights
    loss = -jnp.sum(jax.lax.stop_gradient(iw) * sum_score)
    return loss

if __name__ == "__main__":
    import jax
    _d = setup_inputs()
    print(jax.jit(kernel)(*tuple(_d.values())))

</pallas_src>

<mosaic_0001>
module attributes {stable_mosaic.version = 14 : i64} {
  func.func @_phi_wake_kernel(%arg0: i32, %arg1: memref<6400x64xf32, #tpu.memory_space<vmem>>, %arg2: memref<6400x19xf32, #tpu.memory_space<vmem>>, %arg3: memref<64x256xf32, #tpu.memory_space<vmem>>, %arg4: memref<19x256xf32, #tpu.memory_space<vmem>>, %arg5: memref<256x1xf32, #tpu.memory_space<vmem>>, %arg6: memref<1x1xf32, #tpu.memory_space<vmem>>, %arg7: memref<1x1xf32, #tpu.memory_space<vmem>>, %arg8: memref<4096x1xf32, #tpu.memory_space<vmem>>, %arg9: memref<4096x1xf32, #tpu.memory_space<vmem>>) attributes {dimension_semantics = [#tpu.dimension_semantics<arbitrary>], iteration_bounds = array<i64: 32>, scalar_prefetch = 0 : i64, scratch_operands = 2 : i64, tpu.core_type = #tpu.core_type<tc>, window_params = [{transform_indices = @transform_0, window_bounds = array<i64: 6400, 64>}, {transform_indices = @transform_1, window_bounds = array<i64: 6400, 19>}, {pipeline_mode = #tpu.pipeline_mode<synchronous>, transform_indices = @transform_2, window_bounds = array<i64: 64, 256>}, {pipeline_mode = #tpu.pipeline_mode<synchronous>, transform_indices = @transform_3, window_bounds = array<i64: 19, 256>}, {pipeline_mode = #tpu.pipeline_mode<synchronous>, transform_indices = @transform_4, window_bounds = array<i64: 256, 1>}, {pipeline_mode = #tpu.pipeline_mode<synchronous>, transform_indices = @transform_5, window_bounds = array<i64: 1, 1>}, {pipeline_mode = #tpu.pipeline_mode<synchronous>, transform_indices = @transform_6, window_bounds = array<i64: 1, 1>}]} {
    %get3A = arith.constant 0 : index
    %get3A_0 = arith.constant 0 : index
    %get3A_1 = vector.load %arg2[%get3A, %get3A_0] : memref<6400x19xf32, #tpu.memory_space<vmem>>, vector<6400x19xf32>
    %get3A_2 = arith.constant 0 : index
    %get3A_3 = arith.constant 0 : index
    %get3A_4 = vector.load %arg1[%get3A_2, %get3A_3] : memref<6400x64xf32, #tpu.memory_space<vmem>>, vector<6400x64xf32>
    %get3A_5 = arith.constant 0 : index
    %get3A_6 = arith.constant 0 : index
    %get3A_7 = vector.load %arg3[%get3A_5, %get3A_6] : memref<64x256xf32, #tpu.memory_space<vmem>>, vector<64x256xf32>
    %dot_general3A = arith.constant dense<0.000000e+00> : vector<6400x256xf32>
    %dot_general3A_8 = tpu.matmul %get3A_4, %get3A_7, %dot_general3A {dimension_numbers = #tpu.dot_dimension_numbers<[1], [0], [0], [1], [0, 0, 1, 1], [], []>, transpose_lhs_hint = false} : vector<6400x64xf32>, vector<64x256xf32>, vector<6400x256xf32> -> vector<6400x256xf32>
    %get3A_9 = arith.constant 0 : index
    %get3A_10 = arith.constant 0 : index
    %get3A_11 = vector.load %arg4[%get3A_9, %get3A_10] : memref<19x256xf32, #tpu.memory_space<vmem>>, vector<19x256xf32>
    %dot_general3A_12 = arith.constant dense<0.000000e+00> : vector<6400x256xf32>
    %dot_general3A_13 = tpu.matmul %get3A_1, %get3A_11, %dot_general3A_12 {dimension_numbers = #tpu.dot_dimension_numbers<[1], [0], [0], [1], [0, 0, 1, 1], [], []>, transpose_lhs_hint = false} : vector<6400x19xf32>, vector<19x256xf32>, vector<6400x256xf32> -> vector<6400x256xf32>
    %add3A = arith.addf %dot_general3A_8, %dot_general3A_13 : vector<6400x256xf32>
    %tanh3A = math.tanh %add3A : vector<6400x256xf32>
    %get3A_14 = arith.constant 0 : index
    %get3A_15 = arith.constant 0 : index
    %get3A_16 = vector.load %arg5[%get3A_14, %get3A_15] : memref<256x1xf32, #tpu.memory_space<vmem>>, vector<256x1xf32>
    %dot_general3A_17 = arith.constant dense<0.000000e+00> : vector<6400x1xf32>
    %dot_general3A_18 = tpu.matmul %tanh3A, %get3A_16, %dot_general3A_17 {dimension_numbers = #tpu.dot_dimension_numbers<[1], [0], [0], [1], [0, 0, 1, 1], [], []>, transpose_lhs_hint = false} : vector<6400x256xf32>, vector<256x1xf32>, vector<6400x1xf32> -> vector<6400x1xf32>
    %get3A_19 = arith.constant 0 : index
    %get3A_20 = arith.constant 0 : index
    %get3A_21 = vector.load %arg6[%get3A_19, %get3A_20] : memref<1x1xf32, #tpu.memory_space<vmem>>, vector<1x1xf32>
    %add3A_22 = vector.broadcast %get3A_21 : vector<1x1xf32> to vector<6400x1xf32>
    %add3A_23 = arith.addf %dot_general3A_18, %add3A_22 : vector<6400x1xf32>
    %neg3A = arith.constant 0.000000e+00 : f32
    %neg3A_24 = vector.broadcast %neg3A : f32 to vector<6400x1xf32>
    %neg3A_25 = arith.subf %neg3A_24, %add3A_23 : vector<6400x1xf32>
    %custom_jvp_call3A = arith.constant 0.000000e+00 : f32
    %max3A = vector.broadcast %custom_jvp_call3A : f32 to vector<6400x1xf32>
    %max3A_26 = arith.maximumf %neg3A_25, %max3A : vector<6400x1xf32>
    %sub3A = vector.broadcast %custom_jvp_call3A : f32 to vector<6400x1xf32>
    %sub3A_27 = arith.subf %neg3A_25, %sub3A : vector<6400x1xf32>
    %ne3A = arith.cmpf one, %sub3A_27, %sub3A_27 : vector<6400x1xf32>
    %add3A_28 = vector.broadcast %custom_jvp_call3A : f32 to vector<6400x1xf32>
    %add3A_29 = arith.addf %neg3A_25, %add3A_28 : vector<6400x1xf32>
    %abs3A = math.absf %sub3A_27 : vector<6400x1xf32>
    %neg3A_30 = arith.constant 0.000000e+00 : f32
    %neg3A_31 = vector.broadcast %neg3A_30 : f32 to vector<6400x1xf32>
    %neg3A_32 = arith.subf %neg3A_31, %abs3A : vector<6400x1xf32>
    %exp3A = math.exp %neg3A_32 : vector<6400x1xf32>
    %log1p3A = math.log1p %exp3A : vector<6400x1xf32>
    %add3A_33 = arith.addf %max3A_26, %log1p3A : vector<6400x1xf32>
    %select_n3A = arith.select %ne3A, %add3A_29, %add3A_33 : vector<6400x1xi1>, vector<6400x1xf32>
    %neg3A_34 = arith.constant 0.000000e+00 : f32
    %neg3A_35 = vector.broadcast %neg3A_34 : f32 to vector<6400x1xf32>
    %neg3A_36 = arith.subf %neg3A_35, %select_n3A : vector<6400x1xf32>
    %slice3A = vector.extract_strided_slice %get3A_1 {offsets = [0, 16], sizes = [6400, 1], strides = [1, 1]} : vector<6400x19xf32> to vector<6400x1xf32>
    %slice3A_37 = vector.extract_strided_slice %get3A_1 {offsets = [0, 18], sizes = [6400, 1], strides = [1, 1]} : vector<6400x19xf32> to vector<6400x1xf32>
    %mul3A = arith.mulf %slice3A, %slice3A_37 : vector<6400x1xf32>
    %sub3A_38 = arith.constant 1.000000e+00 : f32
    %sub3A_39 = vector.broadcast %sub3A_38 : f32 to vector<6400x1xf32>
    %sub3A_40 = arith.subf %sub3A_39, %slice3A : vector<6400x1xf32>
    %exp3A_41 = math.exp %slice3A_37 : vector<6400x1xf32>
    %sub3A_42 = arith.constant 1.000000e+00 : f32
    %sub3A_43 = vector.broadcast %sub3A_42 : f32 to vector<6400x1xf32>
    %sub3A_44 = arith.subf %sub3A_43, %exp3A_41 : vector<6400x1xf32>
    %add3A_45 = arith.constant 1.000000e-07 : f32
    %add3A_46 = vector.broadcast %add3A_45 : f32 to vector<6400x1xf32>
    %add3A_47 = arith.addf %sub3A_44, %add3A_46 : vector<6400x1xf32>
    %log3A = math.log %add3A_47 : vector<6400x1xf32>
    %mul3A_48 = arith.mulf %sub3A_40, %log3A : vector<6400x1xf32>
    %add3A_49 = arith.addf %mul3A, %mul3A_48 : vector<6400x1xf32>
    %concatenate3A = tpu.concatenate %neg3A_36, %add3A_49, %slice3A in 1 : vector<6400x1xf32>, vector<6400x1xf32>, vector<6400x1xf32> -> vector<6400x3xf32>
    %iota3A = tpu.iota {dimensions = array<i32: 1>} : vector<128x6400xi32>
    %jit3A = arith.constant 50 : i32
    %div3A = vector.broadcast %jit3A : i32 to vector<128x6400xi32>
    %div3A_50 = arith.divsi %iota3A, %div3A : vector<128x6400xi32>
    %sign3A = arith.constant 0 : i32
    %sign3A_51 = vector.broadcast %sign3A : i32 to vector<128x6400xi32>
    %sign3A_52 = arith.cmpi sgt, %iota3A, %sign3A_51 : vector<128x6400xi32>
    %sign3A_53 = arith.extui %sign3A_52 : vector<128x6400xi1> to vector<128x6400xi32>
    %sign3A_54 = arith.constant 0 : i32
    %sign3A_55 = vector.broadcast %sign3A_54 : i32 to vector<128x6400xi32>
    %sign3A_56 = arith.cmpi slt, %iota3A, %sign3A_55 : vector<128x6400xi32>
    %sign3A_57 = arith.extui %sign3A_56 : vector<128x6400xi1> to vector<128x6400xi32>
    %sign3A_58 = arith.subi %sign3A_53, %sign3A_57 : vector<128x6400xi32>
    %sign3A_59 = arith.constant 0 : i32
    %sign3A_60 = arith.cmpi sgt, %jit3A, %sign3A_59 : i32
    %sign3A_61 = arith.extui %sign3A_60 : i1 to i32
    %sign3A_62 = arith.constant 0 : i32
    %sign3A_63 = arith.cmpi slt, %jit3A, %sign3A_62 : i32
    %sign3A_64 = arith.extui %sign3A_63 : i1 to i32
    %sign3A_65 = arith.subi %sign3A_61, %sign3A_64 : i32
    %ne3A_66 = vector.broadcast %sign3A_65 : i32 to vector<128x6400xi32>
    %ne3A_67 = arith.cmpi ne, %sign3A_58, %ne3A_66 : vector<128x6400xi32>
    %rem3A = vector.broadcast %jit3A : i32 to vector<128x6400xi32>
    %rem3A_68 = arith.remsi %iota3A, %rem3A : vector<128x6400xi32>
    %ne3A_69 = arith.constant 0 : i32
    %ne3A_70 = vector.broadcast %ne3A_69 : i32 to vector<128x6400xi32>
    %ne3A_71 = arith.cmpi ne, %rem3A_68, %ne3A_70 : vector<128x6400xi32>
    %and3A = arith.andi %ne3A_67, %ne3A_71 : vector<128x6400xi1>
    %sub3A_72 = arith.constant 1 : i32
    %sub3A_73 = vector.broadcast %sub3A_72 : i32 to vector<128x6400xi32>
    %sub3A_74 = arith.subi %div3A_50, %sub3A_73 : vector<128x6400xi32>
    %select_n3A_75 = arith.select %and3A, %sub3A_74, %div3A_50 : vector<128x6400xi1>, vector<128x6400xi32>
    %iota3A_76 = tpu.iota {dimensions = array<i32: 0>} : vector<128x6400xi32>
    %eq3A = arith.cmpi eq, %select_n3A_75, %iota3A_76 : vector<128x6400xi32>
    %convert_element_type3A = arith.extui %eq3A : vector<128x6400xi1> to vector<128x6400xi32>
    %convert_element_type3A_77 = arith.sitofp %convert_element_type3A : vector<128x6400xi32> to vector<128x6400xf32>
    %dot_general3A_78 = arith.constant dense<0.000000e+00> : vector<128x3xf32>
    %dot_general3A_79 = tpu.matmul %convert_element_type3A_77, %concatenate3A, %dot_general3A_78 {dimension_numbers = #tpu.dot_dimension_numbers<[1], [0], [0], [1], [0, 0, 1, 1], [], []>, transpose_lhs_hint = false} : vector<128x6400xf32>, vector<6400x3xf32>, vector<128x3xf32> -> vector<128x3xf32>
    %slice3A_80 = vector.extract_strided_slice %dot_general3A_79 {offsets = [0, 0], sizes = [128, 1], strides = [1, 1]} : vector<128x3xf32> to vector<128x1xf32>
    %slice3A_81 = vector.extract_strided_slice %dot_general3A_79 {offsets = [0, 1], sizes = [128, 1], strides = [1, 1]} : vector<128x3xf32> to vector<128x1xf32>
    %slice3A_82 = vector.extract_strided_slice %dot_general3A_79 {offsets = [0, 2], sizes = [128, 1], strides = [1, 1]} : vector<128x3xf32> to vector<128x1xf32>
    %mul3A_83 = arith.constant -0.105360411 : f32
    %mul3A_84 = vector.broadcast %mul3A_83 : f32 to vector<128x1xf32>
    %mul3A_85 = arith.mulf %mul3A_84, %slice3A_82 : vector<128x1xf32>
    %sub3A_86 = arith.constant 5.000000e+01 : f32
    %sub3A_87 = vector.broadcast %sub3A_86 : f32 to vector<128x1xf32>
    %sub3A_88 = arith.subf %sub3A_87, %slice3A_82 : vector<128x1xf32>
    %mul3A_89 = arith.constant -2.30258393 : f32
    %mul3A_90 = vector.broadcast %mul3A_89 : f32 to vector<128x1xf32>
    %mul3A_91 = arith.mulf %mul3A_90, %sub3A_88 : vector<128x1xf32>
    %add3A_92 = arith.addf %mul3A_85, %mul3A_91 : vector<128x1xf32>
    %sub3A_93 = arith.subf %slice3A_81, %slice3A_80 : vector<128x1xf32>
    %sub3A_94 = arith.subf %sub3A_93, %add3A_92 : vector<128x1xf32>
    %sub3A_95 = arith.constant 8.31776618 : f32
    %sub3A_96 = vector.broadcast %sub3A_95 : f32 to vector<128x1xf32>
    %sub3A_97 = arith.subf %sub3A_94, %sub3A_96 : vector<128x1xf32>
    %mul3A_98 = arith.constant 128 : i32
    %mul3A_99 = arith.muli %arg0, %mul3A_98 : i32
    %swap3A = arith.index_cast %mul3A_99 : i32 to index
    %swap3A_100 = arith.constant 0 : index
    %swap3A_101 = vector.load %arg8[%swap3A, %swap3A_100] : memref<4096x1xf32, #tpu.memory_space<vmem>>, vector<128x1xf32>
    tpu.vector_store %arg8[%swap3A, %swap3A_100], %sub3A_97 {strides = array<i32>} : memref<4096x1xf32, #tpu.memory_space<vmem>>, vector<128x1xf32>,
    %mul3A_102 = arith.constant 128 : i32
    %mul3A_103 = arith.muli %arg0, %mul3A_102 : i32
    %swap3A_104 = arith.index_cast %mul3A_103 : i32 to index
    %swap3A_105 = arith.constant 0 : index
    %swap3A_106 = vector.load %arg9[%swap3A_104, %swap3A_105] : memref<4096x1xf32, #tpu.memory_space<vmem>>, vector<128x1xf32>
    tpu.vector_store %arg9[%swap3A_104, %swap3A_105], %slice3A_80 {strides = array<i32>} : memref<4096x1xf32, #tpu.memory_space<vmem>>, vector<128x1xf32>,
    %eq3A_107 = arith.constant 31 : i32
    %eq3A_108 = arith.cmpi eq, %arg0, %eq3A_107 : i32
    %convert_element_type3A_109 = arith.extui %eq3A_108 : i1 to i32
    %cond3A = arith.constant 0 : i32
    %cond3A_110 = arith.cmpi ne, %convert_element_type3A_109, %cond3A : i32
    scf.if %cond3A_110 {
      %get3A_111 = arith.constant 0 : index
      %get3A_112 = arith.constant 0 : index
      %get3A_113 = vector.load %arg8[%get3A_111, %get3A_112] : memref<4096x1xf32, #tpu.memory_space<vmem>>, vector<4096x1xf32>
      %get3A_114 = arith.constant 0 : index
      %get3A_115 = arith.constant 0 : index
      %get3A_116 = vector.load %arg9[%get3A_114, %get3A_115] : memref<4096x1xf32, #tpu.memory_space<vmem>>, vector<4096x1xf32>
      %reduce_max3A = vector.shape_cast %get3A_113 : vector<4096x1xf32> to vector<1x4096x1xf32>
      %reduce_max3A_117 = arith.constant dense<0xFF800000> : vector<1xf32>
      %reduce_max3A_118 = vector.multi_reduction <maximumf>, %reduce_max3A, %reduce_max3A_117 [1, 2] : vector<1x4096x1xf32> to vector<1xf32>
      %reduce_max3A_119 = vector.shape_cast %reduce_max3A_118 : vector<1xf32> to vector<1x1x1xf32>
      %reduce_max3A_120 = vector.extract %reduce_max3A_119[0, 0, 0] : f32 from vector<1x1x1xf32>
      %sub3A_121 = vector.broadcast %reduce_max3A_120 : f32 to vector<4096x1xf32>
      %sub3A_122 = arith.subf %get3A_113, %sub3A_121 : vector<4096x1xf32>
      %exp3A_123 = math.exp %sub3A_122 : vector<4096x1xf32>
      %mul3A_124 = arith.mulf %exp3A_123, %get3A_116 : vector<4096x1xf32>
      %reduce_sum3A = vector.shape_cast %mul3A_124 : vector<4096x1xf32> to vector<1x4096x1xf32>
      %reduce_sum3A_125 = arith.constant dense<0.000000e+00> : vector<1xf32>
      %reduce_sum3A_126 = vector.multi_reduction <add>, %reduce_sum3A, %reduce_sum3A_125 [1, 2] : vector<1x4096x1xf32> to vector<1xf32>
      %reduce_sum3A_127 = vector.shape_cast %reduce_sum3A_126 : vector<1xf32> to vector<1x1x1xf32>
      %reduce_sum3A_128 = vector.extract %reduce_sum3A_127[0, 0, 0] : f32 from vector<1x1x1xf32>
      %broadcast_in_dim3A = vector.broadcast %reduce_sum3A_128 : f32 to vector<1x1xf32>
      %reduce_sum3A_129 = vector.shape_cast %exp3A_123 : vector<4096x1xf32> to vector<1x4096x1xf32>
      %reduce_sum3A_130 = arith.constant dense<0.000000e+00> : vector<1xf32>
      %reduce_sum3A_131 = vector.multi_reduction <add>, %reduce_sum3A_129, %reduce_sum3A_130 [1, 2] : vector<1x4096x1xf32> to vector<1xf32>
      %reduce_sum3A_132 = vector.shape_cast %reduce_sum3A_131 : vector<1xf32> to vector<1x1x1xf32>
      %reduce_sum3A_133 = vector.extract %reduce_sum3A_132[0, 0, 0] : f32 from vector<1x1x1xf32>
      %broadcast_in_dim3A_134 = vector.broadcast %reduce_sum3A_133 : f32 to vector<1x1xf32>
      %neg3A_135 = arith.constant 0.000000e+00 : f32
      %neg3A_136 = vector.broadcast %neg3A_135 : f32 to vector<1x1xf32>
      %neg3A_137 = arith.subf %neg3A_136, %broadcast_in_dim3A : vector<1x1xf32>
      %div3A_138 = arith.divf %neg3A_137, %broadcast_in_dim3A_134 : vector<1x1xf32>
      %swap3A_139 = arith.constant 0 : index
      %swap3A_140 = arith.constant 0 : index
      %swap3A_141 = vector.load %arg7[%swap3A_139, %swap3A_140] : memref<1x1xf32, #tpu.memory_space<vmem>>, vector<1x1xf32>
      tpu.vector_store %arg7[%swap3A_139, %swap3A_140], %div3A_138 {strides = array<i32>} : memref<1x1xf32, #tpu.memory_space<vmem>>, vector<1x1xf32>,
    } else {
    }
    return
  }
  func.func @transform_0(%arg0: i32) -> (i32, i32) {
    %c0_i32 = arith.constant 0 : i32
    %c0_i32_0 = arith.constant 0 : i32
    return %arg0, %c0_i32 : i32, i32
  }
  func.func @transform_1(%arg0: i32) -> (i32, i32) {
    %c0_i32 = arith.constant 0 : i32
    %c0_i32_0 = arith.constant 0 : i32
    return %arg0, %c0_i32 : i32, i32
  }
  func.func @transform_2(%arg0: i32) -> (i32, i32) {
    %c0_i32 = arith.constant 0 : i32
    %c0_i32_0 = arith.constant 0 : i32
    %c0_i32_1 = arith.constant 0 : i32
    return %c0_i32, %c0_i32_0 : i32, i32
  }
  func.func @transform_3(%arg0: i32) -> (i32, i32) {
    %c0_i32 = arith.constant 0 : i32
    %c0_i32_0 = arith.constant 0 : i32
    %c0_i32_1 = arith.constant 0 : i32
    return %c0_i32, %c0_i32_0 : i32, i32
  }
  func.func @transform_4(%arg0: i32) -> (i32, i32) {
    %c0_i32 = arith.constant 0 : i32
    %c0_i32_0 = arith.constant 0 : i32
    %c0_i32_1 = arith.constant 0 : i32
    return %c0_i32, %c0_i32_0 : i32, i32
  }
  func.func @transform_5(%arg0: i32) -> (i32, i32) {
    %c0_i32 = arith.constant 0 : i32
    %c0_i32_0 = arith.constant 0 : i32
    %c0_i32_1 = arith.constant 0 : i32
    return %c0_i32, %c0_i32_0 : i32, i32
  }
  func.func @transform_6(%arg0: i32) -> (i32, i32) {
    %c0_i32 = arith.constant 0 : i32
    %c0_i32_0 = arith.constant 0 : i32
    %c0_i32_1 = arith.constant 0 : i32
    return %c0_i32, %c0_i32_0 : i32, i32
  }
}

</mosaic_0001>

<sc_bundles>
// kernel: sparse-core-data-format-call.cloned.1.call-start
scs
called_computation_lowered:
.L_overlay_start_0:
0x0: {  	s2 =	sld [smem:$0x3FD9]  }
0x1: {  	s3 =	sld [smem:$0x3FFE];
	_ =	sdelay $0x1  }
0x2: {  	s1 =	srdreg.scid  }
0x3: {  	s0 =	sand.u32 $0x1, s1  }
0x4: {  	s18 =	sshll.u32 s0, $0xA;
	s2 =	sadd.s32 s3, s2  }
0x5: {  	s2 =	sadd.s32 s2, s18  }
0x6: {  	[smem:$0x3FC0] =	sst s2  }
0x7: {  	_ = 	snop  }
0x8: {  	s2 =	sld [smem:$0x3FC9];
	(tm) =	ssettm $0x1  }
0x9: {  	s19 =	sld [smem:$0x3FFB];
	_ =	sdelay $0x3  }
0xa: {  	_ =	strace s19  }
0xb: {  	s3 =	sld [smem:$0x3FFC];
	_ =	sdelay $0x3  }
0xc: {  	_ =	strace s3  }
0xd: {  	s3 =	sld [smem:$0x3FFD];
	_ =	sdelay $0x3  }
0xe: {  	_ =	strace s3  }
0xf: {  	_ =	strace $0x8FFFFFFF  }
0x10: {  	s20 =	sld [smem:$0x3FDB];
	_ =	sdelay $0x1  }
0x11: {  	s4 =	simm.s32 $_scs_section_size  }
0x12: {  	s5 =	simm.s32 $_size__tile_overlayer_lowered;
	s6 =	simm.s32 $_tile_overlayer_lowered  }
0x13: {  	s23 =	simm.s32 $0x1BFF;
	s22 =	sshll.u32 s6, $0x1;
	s3 =	sadd.s32 s4, s20  }
0x14: {  	s7 =	simm.s32 $0x0;
	s21 =	sshll.u32 s5, $0x1;
	s5 =	sadd.s32 s22, s3  }
0x15: {  	[timem:s7], [sflag:s23] =	dma.local [hbm:s5], s21  }
0x16: {  	_ =	swait.ge [sflag:s23], s21  }
0x17: {  	s4 =	ssub.s32 $0x0, s21;
	[sflag:s23] =	ssyncset.done $0x0  }
0x18: {  	[sflag:s23] =	ssyncadd.s32 s4;
	_ =	sdelay $0x1  }
0x19: {  	s24 =	simm.s32 $0x1B8B  }
0x1a: {  	_ =	swait.ge [sflag:s24], $0x1  }
0x1b: {  	[sflag:s24] =	ssyncset.done $0x0  }
0x1c: {  	s26 =	simm.s32 $0x1B8E;
	s25 =	sld [smem:$0x3FFE];
	[sflag:s24] =	ssyncadd.s32 $0xFFFFFFFF  }
0x1d: {  	s27 =	simm.s32 $execute0_lowered;
	[smem:$0x3FD2] =	sst s26  }
0x1e: {  	s5 =	sshll.u32 s27, $0x1;
	_ =	strace $0x80000046;
	[dreg:$0x1] =	wrdreg $0xFFFFFFFF  }
0x1f: {  	s28 =	simm.s32 $_size_execute0_lowered;
	s3 =	sadd.s32 s3, s5;
	[dreg:$0x0] =	wrdreg $0x0  }
0x20: {  	s5 =	sshll.u32 s28, $0x1;
	[dreg:$0x2] =	wrdreg s3  }
0x21: {  	[dreg:$0x3] =	wrdreg s5  }
0x22: {  	[dreg:$0x4] =	wrdreg $0xC0  }
0x23: {  	_ =	task [dreg:s7], $0x5FFFF  }
0x24: {  	[dreg:$0x1] =	wrdreg $0xFFFFFFFF  }
0x25: {  	[dreg:$0x0] =	wrdreg $0x60  }
0x26: {  	[dreg:$0x2] =	wrdreg s2  }
0x27: {  	[dreg:$0x3] =	wrdreg s25  }
0x28: {  	[dreg:$0x4] =	wrdreg $0x9  }
0x29: {  	_ =	task.clear_ibuf [dreg:s7], $0x5FFFF;
	_ =	strace $0x90000046  }
0x2a: {  	s29 =	simm.s32 $0x9;
	_ =	strace $0x80000048  }
0x2b: {  	_ =	swait.ge [sflag:s29], $0x1  }
0x2c: {  	[sflag:s29] =	ssyncadd.s32 $0xFFFFFFFF  }
0x2d: {  	_ =	strace $0x90000048  }
0x2e: {  	_ =	sfence  }
0x2f: {  	s30 =	sld [smem:$0x0];
	_ =	sdelay $0x2  }
0x30: {  	s31 =	sshll.u32 s1, $0xD;
	s1 =	sshrl.u32 s1, $0x2  }
0x31: {  	s3 =	sand.u32 $0x4000, s31;
	s1 =	sadd.s32 s1, s30  }
0x32: {  	s0 =	sor.u32 s3, s0;
	s1 =	sshll.u32 s1, $0x11  }
0x33: {  	s0 =	sor.u32 s1, s0  }
0x34: {  	s0 =	sadd.s32 $0x8F2B, s0  }
0x35: {  	[sflag:s0] =	ssyncadd.remote.s32 $0x1  }
0x36: {  	_ =	sfence.sel $0xFFFF  }
0x37: {  	[dreg:$0x0] =	wrdreg $0xFFFFFFFF;
	(pc) =	sbr.abs _section_cstart, $3  }
0x38: {  	[dreg:$0x1] =	wrdreg $0xFFFFFFFF  }
0x39: {  	_ =	task.clear_ibuf [dreg:s7], $0x2FFFF;
	_ =	strace $0x9FFFFFFF  }
0x3a: {  	(tm) =	ssettm $0x7FFFFFFF  }
0x3b: {  	_ =	shalt  }
tec
execute0_lowered:
.L_overlay_start_1:
0x0: {  	(tag) =	ssettag $0x1  }
0x1: {  	s0 =	stileid.u32;
	s7 =	rddreg [dreg:$0x0]  }
0x2: {  	s1 =	srdreg.scid;
	s6 =	rddreg [dreg:$0x1];
	s31 =	simm.s32 $0x2  }
0x3: {  	s13 =	simm.s32 $0x0;
	s2 =	sshll.u32 s0, $0x7;
	s1 =	sshll.u32 s1, $0xB  }
0x4: {  	s10 =	simm.s32 $0x1C00;
	s1 =	sor.u32 s2, s1;
	s2 =	sand.u32 $0x1, s0  }
0x5: {  	s14 =	simm.s32 $0x0;
	s1 =	sand.u32 $0xF00, s1;
	s4 =	ssub.s32 $0x32, s2  }
0x6: {  	s12 =	simm.s32 $0x0;
	s3 =	ssub.s32 $0x1000, s1;
	s8 =	sshrl.u32 s4, $0x1  }
0x7: {  	s4 =	sand.u32 $0x1, s4;
	s5 =	sand.u32 $0xF00, s3;
	s9 =	sshrl.u32 s3, $0xC  }
0x8: {  	s3 =	rddreg [dreg:$0x2];
	p0 =	sne.s32 s5, $0x0;
	s5 =	simm.s32 $0x1  }
.Ltmp0:
0x9: {  	s8 =	sadd.s32 s4, s8;
	s5 =	simm.s32 @!p0 $0x0;
	(pc) =	sbr.rel .LBB1_1-.Ltmp0, $4  }
0xa: {  	_ =	strace $0x80000047;
	s4 =	simm.s32 $0x1;
	s5 =	sadd.s32 s5, s9  }
0xb: {  	s6 =	sadd.s32 $0x1000, s6;
	[sflag:s4] =	ssyncpa.u1 $0x0;
	s5 =	smul.u32 s8, s5  }
0xc: {  	s11 =	smov.u32 s2;
	s7 =	sadd.s32 s7, s1;
	[sflag:s31] =	ssyncpa.u1 $0x0  }
0xd: {  	p0 =	por $0x0, $0x0;
	s9 =	simm.s32 $0x40;
	s8 =	sadd.s32 $0x1, s5  }
.LBB1_4:
0xe: {  	_ = 	snop  }
0xf: {  	[tilespmem:s19+$0x1860 ss:$0x41] =	vst.msk $0xffff, v8  }
0x10: {  	[tilespmem:s19+$0x1C70 ss:$0x41] =	vst.msk $0xffff, v7  }
0x11: {  	[tilespmem:s19+$0x2490 ss:$0x41] =	vst.msk $0xffff, v1  }
0x12: {  	s22 =	sor.u32 s25, s24;
	v47 =	vld.idx.msk [tilespmem:v0+s17+$0x470 ss:$0x1], $0xffff;
	[tilespmem:s19+$0x28A0 ss:$0x41] =	vst.msk $0xffff, v2  }
0x13: {  	[tilespmem:s19+$0x2CB0 ss:$0x41] =	vst.msk $0xffff, v3;
	v57 =	vld.idx.msk [tilespmem:v0+s22+$0x410 ss:$0x1], $0xffff  }
0x14: {  	[tilespmem:s19+$0x30C0 ss:$0x41] =	vst.msk $0xffff, v4;
	v58 =	vld.idx.msk [tilespmem:v0+s22+$0x420 ss:$0x1], $0xffff  }
0x15: {  	[tilespmem:s19+$0x34D0 ss:$0x41] =	vst.msk $0xffff, v5;
	v59 =	vld.idx.msk [tilespmem:v0+s22+$0x430 ss:$0x1], $0xffff  }
0x16: {  	s30 =	sshra.s32 s20, $0x2;
	[tilespmem:s19+$0x38E0 ss:$0x41] =	vst.msk $0xffff, v6;
	v60 =	vld.idx.msk [tilespmem:v0+s22+$0x440 ss:$0x1], $0xffff  }
0x17: {  	s23 =	sand.u32 $0x3B00, s22;
	s17 =	sadd.s32 s30, s18;
	v61 =	vld.idx.msk [tilespmem:v0+s22+$0x450 ss:$0x1], $0xffff;
	[tilespmem:s19+$0x3CF0 ss:$0x41] =	vst.msk $0xffff, v47  }
0x18: {  	s21 =	sand.u32 $0x80, s21;
	v62 =	vld.idx.msk [tilespmem:v0+s22+$0x460 ss:$0x1], $0xffff;
	s16 =	sadd.s32 s23, s16;
	[tilespmem:s17+$0x2490 ss:$0x41] =	vst.msk $0xffff, v57  }
0x19: {  	v63 =	vld.idx.msk [tilespmem:v0+s22+$0x470 ss:$0x1], $0xffff;
	s16 =	sadd.s32 s21, s16;
	[tilespmem:s17+$0x28A0 ss:$0x41] =	vst.msk $0xffff, v58  }
0x1a: {  	v48 =	vld [tilespmem:s16+$0x400];
	[tilespmem:s17+$0x2CB0 ss:$0x41] =	vst.msk $0xffff, v59  }
0x1b: {  	v49 =	vld [tilespmem:s16+$0x0];
	[tilespmem:s17+$0x30C0 ss:$0x41] =	vst.msk $0xffff, v60  }
0x1c: {  	v50 =	vld [tilespmem:s16+$0x10];
	[tilespmem:s17+$0x34D0 ss:$0x41] =	vst.msk $0xffff, v61  }
0x1d: {  	v51 =	vld [tilespmem:s16+$0x20];
	[tilespmem:s17+$0x38E0 ss:$0x41] =	vst.msk $0xffff, v62  }
0x1e: {  	v52 =	vld [tilespmem:s16+$0x30];
	[tilespmem:s17+$0x3CF0 ss:$0x41] =	vst.msk $0xffff, v63  }
0x1f: {  	v53 =	vld [tilespmem:s16+$0x40];
	[tilespmem:s17+$0x2080 ss:$0x41] =	vst.msk $0xffff, v48  }
0x20: {  	s14 =	sand.u32 $0x1FFFFFF, s14;
	v54 =	vld [tilespmem:s16+$0x50];
	[tilespmem:s17+$0x0 ss:$0x41] =	vst.msk $0xffff, v49  }
0x21: {  	s31 =	smulhi.u32 $0x4924925, s14;
	v55 =	vld [tilespmem:s16+$0x60];
	[tilespmem:s17+$0x410 ss:$0x41] =	vst.msk $0xffff, v50  }
0x22: {  	v56 =	vld [tilespmem:s16+$0x70];
	[tilespmem:s17+$0x820 ss:$0x41] =	vst.msk $0xffff, v51  }
0x23: {  	s16 =	smul.u32 $0x38, s31;
	[tilespmem:s17+$0xC30 ss:$0x41] =	vst.msk $0xffff, v52  }
0x24: {  	s13 =	smul.u32 $0x380, s13;
	[tilespmem:s17+$0x1040 ss:$0x41] =	vst.msk $0xffff, v53  }
0x25: {  	s14 =	ssub.s32 s14, s16;
	[tilespmem:s17+$0x1450 ss:$0x41] =	vst.msk $0xffff, v54  }
0x26: {  	s13 =	sadd.s32 s6, s13;
	s14 =	sshll.u32 s14, $0x4;
	[tilespmem:s17+$0x1860 ss:$0x41] =	vst.msk $0xffff, v55  }
0x27: {  	s13 =	sadd.s32 s14, s13;
	[tilespmem:s17+$0x1C70 ss:$0x41] =	vst.msk $0xffff, v56  }
0x28: {  	[hbm4b:s13+s9] =	stream.strided.scatter [tilespmem:s15], [sflag:$0x2], $0x4000, s10, s9, $0x18;
	[tilespmem:$0x10200] =	vst v63  }
.LBB1_5:
0x29: {  	s15 =	sadd.s32 $0x2, s11  }
0x2a: {  	p2 =	sgt.s32 s15, $0x31  }
0x2b: {  	s15 =	smov.u32 @p2 s2;
	p2 =	sne.s32 s12, s8  }
.Ltmp1:
0x2c: {  	p1 =	slt.u32 s12, $0x2;
	(pc) =	sbr.rel @!p2 .LBB1_6-.Ltmp1, $4  }
0x2d: {  	s13 =	simm.s32 @!p1 $0x2  }
0x2e: {  	s16 =	sadd.s32 $0x1, s12;
	s14 =	smov.u32 s11;
	_ =	swait.ge @!p1 [sflag:s13], $0x4000  }
0x2f: {  	p0 =	por !p0, !p0;
	s12 =	smov.u32 s16;
	[sflag:s13] =	ssyncset.done @!p1 $0x0  }
0x30: {  	s11 =	smov.u32 s15;
	[sflag:s13] =	ssyncadd.s32 @!p1 $0xFFFFC000;
	s13 =	smov.u32 s1  }
.LBB1_1:
0x31: {  	p1 =	sge.u32 s12, s5  }
0x32: {  	s31 =	sadd.s32 $0xFFFFFFFF, s12;
	s15 =	sxor.u32 @!p1 $0xFFFFFFFF, s12  }
0x33: {  	s16 =	sshll.u32 @!p1 s11, $0xF;
	s17 =	simm.s32 @!p1 $0x800;
	s15 =	sshll.u32 @!p1 s15, $0xE  }
0x34: {  	s18 =	simm.s32 @!p1 $0x8000;
	s16 =	sadd.s32 @!p1 s16, s7;
	s15 =	sand.u32 @!p1 $0x4000, s15  }
0x35: {  	[tilespmem:s15], [sflag:$0x1] =	stream.strided.gather @!p1 [hbm4b:s16+s17], $0x4000, s18, s17, $0x38;
	[tilespmem:$0x10200] =	vst v63  }
0x36: {  	p1 =	sge.u32 s31, s5  }
.Ltmp2:
0x37: {  	_ = 	snop;
	(pc) =	sbr.rel @p1 .LBB1_5-.Ltmp2, $1  }
0x38: {  	_ =	sdelay $0x3  }
0x39: {  	s18 =	simm.s32 $0x0  }
0x3a: {  	s17 =	sand.u32 $0x3800, s18;
	s19 =	sand.u32 $0x380, s18  }
0x3b: {  	s15 =	sand.u32 $0x1, s12;
	s17 =	sor.u32 s19, s17  }
0x3c: {  	_ =	swait.ge [sflag:s4], $0x4000;
	s16 =	sshll.u32 s15, $0xE;
	s19 =	sand.u32 $0x3B00, s17  }
0x3d: {  	[sflag:s4] =	ssyncset.done $0x0;
	s18 =	sand.u32 $0x80, s18;
	s19 =	sadd.s32 s19, s16  }
0x3e: {  	[sflag:s4] =	ssyncadd.s32 $0xFFFFC000;
	s21 =	sadd.s32 s18, s19  }
0x3f: {  	v4 =	vld [tilespmem:s21+$0x400]  }
0x40: {  	s20 =	simm.s32 $0x1;
	v5 =	vld [tilespmem:s21+$0x0]  }
0x41: {  	s20 =	simm.s32 @!p0 $0x0;
	v6 =	vld [tilespmem:s21+$0x10]  }
0x42: {  	v0 =	vmov s16;
	s31 =	smul.u32 $0x10400, s20;
	v7 =	vld [tilespmem:s21+$0x20]  }
0x43: {  	v9 =	vld [tilespmem:s21+$0x30]  }
0x44: {  	s18 =	sshrl.u32 s31, $0x2;
	v10 =	vld [tilespmem:s21+$0x40]  }
0x45: {  	s18 =	sor.u32 $0x8000, s18;
	v11 =	vld [tilespmem:s21+$0x50]  }
0x46: {  	v8 =	vld [tilespmem:s21+$0x60];
	s19 =	sadd.s32 $0x0, s18  }
0x47: {  	v1 =	vld.idx.msk [tilespmem:v0+s17+$0x410 ss:$0x1], $0xffff;
	[tilespmem:s19+$0x2080 ss:$0x41] =	vst.msk $0xffff, v4  }
0x48: {  	v2 =	vld.idx.msk [tilespmem:v0+s17+$0x420 ss:$0x1], $0xffff;
	[tilespmem:s19+$0x0 ss:$0x41] =	vst.msk $0xffff, v5  }
0x49: {  	v3 =	vld.idx.msk [tilespmem:v0+s17+$0x430 ss:$0x1], $0xffff;
	[tilespmem:s19+$0x410 ss:$0x41] =	vst.msk $0xffff, v6  }
0x4a: {  	s15 =	smul.u32 $0x10400, s15;
	[tilespmem:s19+$0x820 ss:$0x41] =	vst.msk $0xffff, v7;
	v7 =	vld [tilespmem:s21+$0x70]  }
0x4b: {  	s22 =	simm.s32 $0x100;
	s23 =	simm.s32 $0x8;
	[tilespmem:s19+$0xC30 ss:$0x41] =	vst.msk $0xffff, v9;
	v4 =	vld.idx.msk [tilespmem:v0+s17+$0x440 ss:$0x1], $0xffff  }
0x4c: {  	s24 =	sand.u32 $0x3800, s22;
	s15 =	sshrl.u32 s15, $0x2;
	[tilespmem:s19+$0x1040 ss:$0x41] =	vst.msk $0xffff, v10;
	v5 =	vld.idx.msk [tilespmem:v0+s17+$0x450 ss:$0x1], $0xffff;
	s21 =	simm.s32 $0x80  }
0x4d: {  	s20 =	simm.s32 $0x4;
	s15 =	sor.u32 $0x8000, s15;
	[tilespmem:s19+$0x1450 ss:$0x41] =	vst.msk $0xffff, v11;
	v6 =	vld.idx.msk [tilespmem:v0+s17+$0x460 ss:$0x1], $0xffff;
	s25 =	sand.u32 $0x380, s21  }
.LBB1_3:
0x4e: {  	p1 =	sne.s32 s23, $0xFC;
	[tilespmem:s19+$0x1860 ss:$0x41] =	vst.msk $0xffff, v8;
	v8 =	vld.idx.msk [tilespmem:v0+s17+$0x470 ss:$0x1], $0xffff;
	s17 =	sor.u32 s25, s24  }
0x4f: {  	s24 =	sand.u32 $0x3B00, s17;
	v9 =	vld.idx.msk [tilespmem:v0+s17+$0x410 ss:$0x1], $0xffff;
	[tilespmem:s19+$0x1C70 ss:$0x41] =	vst.msk $0xffff, v7  }
0x50: {  	s25 =	sand.u32 $0x80, s21;
	s24 =	sadd.s32 s24, s16;
	v7 =	vld.idx.msk [tilespmem:v0+s17+$0x420 ss:$0x1], $0xffff;
	[tilespmem:s19+$0x2490 ss:$0x41] =	vst.msk $0xffff, v1  }
0x51: {  	s24 =	sadd.s32 s25, s24;
	v10 =	vld.idx.msk [tilespmem:v0+s17+$0x430 ss:$0x1], $0xffff;
	[tilespmem:s19+$0x28A0 ss:$0x41] =	vst.msk $0xffff, v2  }
0x52: {  	v11 =	vld [tilespmem:s24+$0x400];
	[tilespmem:s19+$0x2CB0 ss:$0x41] =	vst.msk $0xffff, v3  }
0x53: {  	v12 =	vld [tilespmem:s24+$0x0];
	[tilespmem:s19+$0x30C0 ss:$0x41] =	vst.msk $0xffff, v4  }
0x54: {  	v4 =	vld [tilespmem:s24+$0x10];
	[tilespmem:s19+$0x34D0 ss:$0x41] =	vst.msk $0xffff, v5  }
0x55: {  	s25 =	sshra.s32 s20, $0x2;
	s20 =	smov.u32 s23;
	v1 =	vmov v9;
	v5 =	vld [tilespmem:s24+$0x20];
	[tilespmem:s19+$0x38E0 ss:$0x41] =	vst.msk $0xffff, v6  }
0x56: {  	v2 =	vmov v7;
	v6 =	vld [tilespmem:s24+$0x30];
	[tilespmem:s19+$0x3CF0 ss:$0x41] =	vst.msk $0xffff, v8;
	s19 =	sadd.s32 s25, s18  }
0x57: {  	v3 =	vmov v10;
	v9 =	vld [tilespmem:s24+$0x40];
	[tilespmem:s19+$0x2080 ss:$0x41] =	vst.msk $0xffff, v11  }
0x58: {  	[tilespmem:s19+$0x0 ss:$0x41] =	vst.msk $0xffff, v12;
	v10 =	vld [tilespmem:s24+$0x50]  }
.Ltmp3:
0x59: {  	[tilespmem:s19+$0x410 ss:$0x41] =	vst.msk $0xffff, v4;
	v8 =	vld [tilespmem:s24+$0x60];
	(pc) =	sbr.rel @p1 .LBB1_3-.Ltmp3, $4  }
0x5a: {  	[tilespmem:s19+$0x820 ss:$0x41] =	vst.msk $0xffff, v5;
	v7 =	vld [tilespmem:s24+$0x70]  }
0x5b: {  	[tilespmem:s19+$0xC30 ss:$0x41] =	vst.msk $0xffff, v6;
	v4 =	vld.idx.msk [tilespmem:v0+s17+$0x440 ss:$0x1], $0xffff  }
0x5c: {  	s21 =	sadd.s32 $0x80, s21;
	s22 =	sadd.s32 $0x100, s22;
	[tilespmem:s19+$0x1040 ss:$0x41] =	vst.msk $0xffff, v9;
	v5 =	vld.idx.msk [tilespmem:v0+s17+$0x450 ss:$0x1], $0xffff  }
0x5d: {  	s23 =	sadd.s32 $0x4, s23;
	s25 =	sand.u32 $0x380, s21;
	s24 =	sand.u32 $0x3800, s22;
	[tilespmem:s19+$0x1450 ss:$0x41] =	vst.msk $0xffff, v10;
	v6 =	vld.idx.msk [tilespmem:v0+s17+$0x460 ss:$0x1], $0xffff  }
.Ltmp4:
0x5e: {  	_ = 	snop;
	(pc) =	sbr.rel .LBB1_4-.Ltmp4, $1  }
0x5f: {  	_ =	sdelay $0x3  }
.LBB1_6:
0x60: {  	_ =	sfence.sel $0x180000  }
0x61: {  	s1 =	simm.s32 $0x1;
	[bflag:$0x0] =	sbarrier.arrive $0xFFFF  }
0x62: {  	s31 =	simm.s32 $0x2;
	[sflag:s1] =	ssyncpa.u1 $0x1  }
0x63: {  	[sflag:s31] =	ssyncpa.u1 $0x1  }
0x64: {  	p0 =	sne.s32 s0, $0x0;
	_ =	strace $0x90000047  }
0x65: {  	s0 =	sadd.s32 @!p0 $0x100000, s3;
	[bflag:$0x2] =	sbarrier.arrive $0xFFFF  }
0x66: {  	[sflag:s0] =	ssyncadd.tile.s32 @!p0 $0x1;
	_ =	shalt  }
.Lfunc_end1:
_tile_overlayer_lowered:
.L_overlay_start_2:
0x67: {  	(tag) =	ssettag $0x2  }
0x68: {  	s0 =	rddreg [dreg:$0x0];
	s2 =	stileid.u32  }
0x69: {  	s1 =	rddreg [dreg:$0x1];
	p0 =	sne.s32 s2, $0x0  }
0x6a: {  	s3 =	rddreg [dreg:$0x2];
	[bflag:$0x3] =	sbarrier.arrive $0xFFFF;
	s2 =	simm.s32 @!p0 $0x1C01  }
0x6b: {  	[timem:s3], [sflag:s2] =	dma.local @!p0 [hbm:s0], s1  }
0x6c: {  	s0 =	simm.s32 @!p0 $0x1  }
0x6d: {  	_ =	swait.ge @!p0 [sflag:s0], s1  }
0x6e: {  	s1 =	ssub.s32 @!p0 $0x0, s1;
	[sflag:s0] =	ssyncset.done @!p0 $0x0  }
0x6f: {  	[sflag:s0] =	ssyncadd.s32 @!p0 s1  }
0x70: {  	[bflag:$0x3] =	sbarrier.arrive $0xFFFF  }
0x71: {  	_ =	shalt  }

</sc_bundles>
